<compile_context>
chip_gen: v7x
topology: tpu7x:2x2x1
jax: 0.10.2.dev20260603
libtpu: 0.0.44.dev20260713+nightly
codegen_flags: <defaults>
</compile_context>

<pallas_src>
import jax
import jax.numpy as jnp
from jax.experimental import pallas as pl

_E = 4
_K = 2
_EPS = 1e-3


def _silu_half(z):
    return z + z * jnp.tanh(z)


def _fused_kernel(x_ref, w1_ref, t1_ref, wr_ref, br_ref,
                  ce_ref, te_ref, w3_ref, t3_ref, o_ref):
    xb = x_ref[0]

    h = _silu_half(jnp.dot(w1_ref[...], xb, preferred_element_type=jnp.float32)
                   + t1_ref[...])

    logits = jnp.dot(wr_ref[...], h, preferred_element_type=jnp.float32) + br_ref[...]

    rows = [logits[e:e + 1, :] for e in range(_E)]
    m = jnp.maximum(jnp.maximum(rows[0], rows[1]), jnp.maximum(rows[2], rows[3]))
    ws = []
    for e in range(_E):
        rank = jnp.zeros_like(rows[e])
        for j in range(_E):
            if j == e:
                continue
            beats = (rows[j] > rows[e]) if j > e else (rows[j] >= rows[e])
            rank = rank + beats.astype(jnp.float32)
        sel = rank < float(_K)
        ws.append(jnp.where(sel, jnp.exp(rows[e] - m), 0.0))
    denom = ws[0] + ws[1] + ws[2] + ws[3]
    inv = 1.0 / denom

    y = _silu_half(jnp.dot(ce_ref[...], h, preferred_element_type=jnp.float32)
                   + te_ref[...])
    Ch = h.shape[0]
    acc = (ws[0] * inv) * y[0 * Ch:1 * Ch]
    for e in range(1, _E):
        acc = acc + (ws[e] * inv) * y[e * Ch:(e + 1) * Ch]

    o_ref[0] = _silu_half(jnp.dot(w3_ref[...], acc, preferred_element_type=jnp.float32)
                          + t3_ref[...]) + xb


def kernel(x, W1, bn1_g, bn1_b, bn1_m, bn1_v, Wr, br, We,
           bne_g, bne_b, bne_m, bne_v, W3, bn3_g, bn3_b, bn3_m, bn3_v):
    B, C1, H, W = x.shape
    Ch = W1.shape[0]
    HW = H * W
    T = 2048
    x3 = x.reshape(B, C1, HW)

    s1 = 0.5 * bn1_g / jnp.sqrt(bn1_v + _EPS)
    W1f = W1 * s1[:, None]
    t1 = (0.5 * bn1_b - bn1_m * s1).reshape(Ch, 1)
    se = 0.5 * bne_g / jnp.sqrt(bne_v + _EPS)
    cef = (We[:, :, :, 1, 1] * se[:, :, None]).reshape(_E * Ch, Ch)
    tef = (0.5 * bne_b - bne_m * se).reshape(_E * Ch, 1)
    s3 = 0.5 * bn3_g / jnp.sqrt(bn3_v + _EPS)
    W3f = W3 * s3[:, None]
    t3 = (0.5 * bn3_b - bn3_m * s3).reshape(C1, 1)
    Wr8 = jnp.zeros((8, Ch), jnp.float32).at[:_E].set(Wr)
    br8 = jnp.zeros((8, 1), jnp.float32).at[:_E, 0].set(br)

    grid = (B, HW // T)
    full = lambda *s: pl.BlockSpec(s, lambda b, t: (0,) * len(s))
    out = pl.pallas_call(
        _fused_kernel,
        grid=grid,
        in_specs=[
            pl.BlockSpec((1, C1, T), lambda b, t: (b, 0, t)),
            full(Ch, C1), full(Ch, 1),
            full(8, Ch), full(8, 1),
            full(_E * Ch, Ch), full(_E * Ch, 1),
            full(C1, Ch), full(C1, 1),
        ],
        out_specs=pl.BlockSpec((1, C1, T), lambda b, t: (b, 0, t)),
        out_shape=jax.ShapeDtypeStruct((B, C1, HW), jnp.float32),
    )(x3, W1f, t1, Wr8, br8, cef, tef, W3f, t3)
    return out.reshape(B, C1, H, W)

# --- scband reference (transcript-rebuilt; emitter-appended) ---
"""Pipeline reference for scband-mo-e-bottleneck-19576460935691 (READ-ONLY COPY).

The authoritative reference and input builder live on the scoring server;
editing this copy changes nothing except your own understanding.
"""

import jax, jax.numpy as jnp
import numpy as np

E = 4
K = 2
EPS = 1e-3

def _silu(x):
    return x * jax.nn.sigmoid(x)

def _bn_nchw(x, g, b, m, v):
    return (x - m[None, :, None, None]) / jnp.sqrt(v[None, :, None, None] + EPS) * g[None, :, None, None] + b[None, :, None, None]

def _bn_nc(x, g, b, m, v):
    return (x - m[None, :]) / jnp.sqrt(v[None, :] + EPS) * g[None, :] + b[None, :]

def setup_inputs(seed: int = 0):
    key = jax.random.key(seed)
    ks = jax.random.split(key, 24)
    B, C1, H, W = 4, 128, 128, 128
    Ch = 64
    inp = {}
    inp['x'] = jax.random.normal(ks[0], (B, C1, H, W), dtype=jnp.float32)
    inp['W1'] = jax.random.normal(ks[1], (Ch, C1), dtype=jnp.float32) * 0.05
    inp['bn1_g'] = jax.random.uniform(ks[2], (Ch,), minval=0.5, maxval=1.5)
    inp['bn1_b'] = jax.random.normal(ks[3], (Ch,)) * 0.1
    inp['bn1_m'] = jax.random.normal(ks[4], (Ch,)) * 0.1
    inp['bn1_v'] = jax.random.uniform(ks[5], (Ch,), minval=0.5, maxval=1.5)
    inp['Wr'] = jax.random.normal(ks[6], (E, Ch)) * 0.05
    inp['br'] = jax.random.normal(ks[7], (E,)) * 0.01
    inp['We'] = jax.random.normal(ks[8], (E, Ch, Ch, 3, 3)) * 0.05
    inp['bne_g'] = jax.random.uniform(ks[9], (E, Ch), minval=0.5, maxval=1.5)
    inp['bne_b'] = jax.random.normal(ks[10], (E, Ch)) * 0.1
    inp['bne_m'] = jax.random.normal(ks[11], (E, Ch)) * 0.1
    inp['bne_v'] = jax.random.uniform(ks[12], (E, Ch), minval=0.5, maxval=1.5)
    inp['W3'] = jax.random.normal(ks[13], (C1, Ch)) * 0.05
    inp['bn3_g'] = jax.random.uniform(ks[14], (C1,), minval=0.5, maxval=1.5)
    inp['bn3_b'] = jax.random.normal(ks[15], (C1,)) * 0.1
    inp['bn3_m'] = jax.random.normal(ks[16], (C1,)) * 0.1
    inp['bn3_v'] = jax.random.uniform(ks[17], (C1,), minval=0.5, maxval=1.5)
    return inp

def reference(x, W1, bn1_g, bn1_b, bn1_m, bn1_v, Wr, br, We, bne_g, bne_b, bne_m, bne_v, W3, bn3_g, bn3_b, bn3_m, bn3_v):
    # conv1: 1x1 Conv + BN + SiLU (Ultralytics Conv)
    x_in = _silu(_bn_nchw(jnp.einsum('bchw,oc->bohw', x, W1), bn1_g, bn1_b, bn1_m, bn1_v))
    B, C, H, W = x_in.shape
    x_flat = x_in.transpose(0, 2, 3, 1).reshape(-1, C)
    # router: 1x1 conv with bias
    logits = (jnp.einsum('bchw,ec->behw', x_in, Wr) + br[None, :, None, None]).transpose(0, 2, 3, 1).reshape(-1, E)
    probs = jax.nn.softmax(logits, axis=-1)
    tw, ti = jax.lax.top_k(probs, K)
    tw = tw / jnp.sum(tw, axis=-1, keepdims=True)
    out = jnp.zeros_like(x_flat)
    for i in range(E):
        # dense-equivalent of gather/scatter dispatch: non-selected tokens get weight 0
        wi = jnp.sum(jnp.where(ti == i, tw, 0.0), axis=-1)
        # 3x3 conv (pad 1) applied to 1x1 spatial patches == center-tap matmul
        ce = We[i][:, :, 1, 1]
        y = x_flat @ ce.T
        y = _silu(_bn_nc(y, bne_g[i], bne_b[i], bne_m[i], bne_v[i]))
        out = out + wi[:, None] * y
    out = out.reshape(B, H, W, C).transpose(0, 3, 1, 2)
    y3 = _silu(_bn_nchw(jnp.einsum('bchw,oc->bohw', out, W3), bn3_g, bn3_b, bn3_m, bn3_v))
    return y3 + x

if __name__ == "__main__":
    import jax
    _d = setup_inputs()
    print(jax.jit(kernel)(*tuple(_d.values())))

</pallas_src>

<mosaic_0001>
module attributes {stable_mosaic.version = 14 : i64} {
  func.func @_fused_kernel(%arg0: i32, %arg1: i32, %arg2: memref<1x128x2048xf32, #tpu.memory_space<vmem>>, %arg3: memref<64x128xf32, #tpu.memory_space<vmem>>, %arg4: memref<64x1xf32, #tpu.memory_space<vmem>>, %arg5: memref<8x64xf32, #tpu.memory_space<vmem>>, %arg6: memref<8x1xf32, #tpu.memory_space<vmem>>, %arg7: memref<256x64xf32, #tpu.memory_space<vmem>>, %arg8: memref<256x1xf32, #tpu.memory_space<vmem>>, %arg9: memref<128x64xf32, #tpu.memory_space<vmem>>, %arg10: memref<128x1xf32, #tpu.memory_space<vmem>>, %arg11: memref<1x128x2048xf32, #tpu.memory_space<vmem>>) attributes {dimension_semantics = [#tpu.dimension_semantics<arbitrary>, #tpu.dimension_semantics<arbitrary>], iteration_bounds = array<i64: 4, 8>, scalar_prefetch = 0 : i64, scratch_operands = 0 : i64, tpu.core_type = #tpu.core_type<tc>, window_params = [{transform_indices = @transform_0, window_bounds = array<i64: 1, 128, 2048>}, {pipeline_mode = #tpu.pipeline_mode<synchronous>, transform_indices = @transform_1, window_bounds = array<i64: 64, 128>}, {pipeline_mode = #tpu.pipeline_mode<synchronous>, transform_indices = @transform_2, window_bounds = array<i64: 64, 1>}, {pipeline_mode = #tpu.pipeline_mode<synchronous>, transform_indices = @transform_3, window_bounds = array<i64: 8, 64>}, {pipeline_mode = #tpu.pipeline_mode<synchronous>, transform_indices = @transform_4, window_bounds = array<i64: 8, 1>}, {pipeline_mode = #tpu.pipeline_mode<synchronous>, transform_indices = @transform_5, window_bounds = array<i64: 256, 64>}, {pipeline_mode = #tpu.pipeline_mode<synchronous>, transform_indices = @transform_6, window_bounds = array<i64: 256, 1>}, {pipeline_mode = #tpu.pipeline_mode<synchronous>, transform_indices = @transform_7, window_bounds = array<i64: 128, 64>}, {pipeline_mode = #tpu.pipeline_mode<synchronous>, transform_indices = @transform_8, window_bounds = array<i64: 128, 1>}, {transform_indices = @transform_9, window_bounds = array<i64: 1, 128, 2048>}]} {
    %get3A = arith.constant 0 : index
    %get3A_0 = arith.constant 0 : index
    %get3A_1 = arith.constant 0 : index
    %get3A_2 = vector.load %arg2[%get3A, %get3A_0, %get3A_1] : memref<1x128x2048xf32, #tpu.memory_space<vmem>>, vector<1x128x2048xf32>
    %get3A_3 = vector.shape_cast %get3A_2 : vector<1x128x2048xf32> to vector<128x2048xf32>
    %get3A_4 = arith.constant 0 : index
    %get3A_5 = arith.constant 0 : index
    %get3A_6 = vector.load %arg3[%get3A_4, %get3A_5] : memref<64x128xf32, #tpu.memory_space<vmem>>, vector<64x128xf32>
    %dot_general3A = arith.constant dense<0.000000e+00> : vector<64x2048xf32>
    %dot_general3A_7 = tpu.matmul %get3A_6, %get3A_3, %dot_general3A {dimension_numbers = #tpu.dot_dimension_numbers<[1], [0], [0], [1], [0, 0, 1, 1], [], []>, transpose_lhs_hint = false} : vector<64x128xf32>, vector<128x2048xf32>, vector<64x2048xf32> -> vector<64x2048xf32>
    %get3A_8 = arith.constant 0 : index
    %get3A_9 = arith.constant 0 : index
    %get3A_10 = vector.load %arg4[%get3A_8, %get3A_9] : memref<64x1xf32, #tpu.memory_space<vmem>>, vector<64x1xf32>
    %add3A = vector.broadcast %get3A_10 : vector<64x1xf32> to vector<64x2048xf32>
    %add3A_11 = arith.addf %dot_general3A_7, %add3A : vector<64x2048xf32>
    %tanh3A = math.tanh %add3A_11 : vector<64x2048xf32>
    %mul3A = arith.mulf %add3A_11, %tanh3A : vector<64x2048xf32>
    %add3A_12 = arith.addf %add3A_11, %mul3A : vector<64x2048xf32>
    %get3A_13 = arith.constant 0 : index
    %get3A_14 = arith.constant 0 : index
    %get3A_15 = vector.load %arg5[%get3A_13, %get3A_14] : memref<8x64xf32, #tpu.memory_space<vmem>>, vector<8x64xf32>
    %dot_general3A_16 = arith.constant dense<0.000000e+00> : vector<8x2048xf32>
    %dot_general3A_17 = tpu.matmul %get3A_15, %add3A_12, %dot_general3A_16 {dimension_numbers = #tpu.dot_dimension_numbers<[1], [0], [0], [1], [0, 0, 1, 1], [], []>, transpose_lhs_hint = false} : vector<8x64xf32>, vector<64x2048xf32>, vector<8x2048xf32> -> vector<8x2048xf32>
    %get3A_18 = arith.constant 0 : index
    %get3A_19 = arith.constant 0 : index
    %get3A_20 = vector.load %arg6[%get3A_18, %get3A_19] : memref<8x1xf32, #tpu.memory_space<vmem>>, vector<8x1xf32>
    %add3A_21 = vector.broadcast %get3A_20 : vector<8x1xf32> to vector<8x2048xf32>
    %add3A_22 = arith.addf %dot_general3A_17, %add3A_21 : vector<8x2048xf32>
    %slice3A = vector.extract_strided_slice %add3A_22 {offsets = [0, 0], sizes = [1, 2048], strides = [1, 1]} : vector<8x2048xf32> to vector<1x2048xf32>
    %slice3A_23 = vector.extract_strided_slice %add3A_22 {offsets = [1, 0], sizes = [1, 2048], strides = [1, 1]} : vector<8x2048xf32> to vector<1x2048xf32>
    %slice3A_24 = vector.extract_strided_slice %add3A_22 {offsets = [2, 0], sizes = [1, 2048], strides = [1, 1]} : vector<8x2048xf32> to vector<1x2048xf32>
    %slice3A_25 = vector.extract_strided_slice %add3A_22 {offsets = [3, 0], sizes = [1, 2048], strides = [1, 1]} : vector<8x2048xf32> to vector<1x2048xf32>
    %max3A = arith.maximumf %slice3A, %slice3A_23 : vector<1x2048xf32>
    %max3A_26 = arith.maximumf %slice3A_24, %slice3A_25 : vector<1x2048xf32>
    %max3A_27 = arith.maximumf %max3A, %max3A_26 : vector<1x2048xf32>
    %broadcast_in_dim3A = arith.constant 0.000000e+00 : f32
    %broadcast_in_dim3A_28 = vector.broadcast %broadcast_in_dim3A : f32 to vector<1x2048xf32>
    %gt3A = arith.cmpf ogt, %slice3A_23, %slice3A : vector<1x2048xf32>
    %convert_element_type3A = arith.extui %gt3A : vector<1x2048xi1> to vector<1x2048xi32>
    %convert_element_type3A_29 = arith.sitofp %convert_element_type3A : vector<1x2048xi32> to vector<1x2048xf32>
    %add3A_30 = arith.addf %broadcast_in_dim3A_28, %convert_element_type3A_29 : vector<1x2048xf32>
    %gt3A_31 = arith.cmpf ogt, %slice3A_24, %slice3A : vector<1x2048xf32>
    %convert_element_type3A_32 = arith.extui %gt3A_31 : vector<1x2048xi1> to vector<1x2048xi32>
    %convert_element_type3A_33 = arith.sitofp %convert_element_type3A_32 : vector<1x2048xi32> to vector<1x2048xf32>
    %add3A_34 = arith.addf %add3A_30, %convert_element_type3A_33 : vector<1x2048xf32>
    %gt3A_35 = arith.cmpf ogt, %slice3A_25, %slice3A : vector<1x2048xf32>
    %convert_element_type3A_36 = arith.extui %gt3A_35 : vector<1x2048xi1> to vector<1x2048xi32>
    %convert_element_type3A_37 = arith.sitofp %convert_element_type3A_36 : vector<1x2048xi32> to vector<1x2048xf32>
    %add3A_38 = arith.addf %add3A_34, %convert_element_type3A_37 : vector<1x2048xf32>
    %lt3A = arith.constant 2.000000e+00 : f32
    %lt3A_39 = vector.broadcast %lt3A : f32 to vector<1x2048xf32>
    %lt3A_40 = arith.cmpf olt, %add3A_38, %lt3A_39 : vector<1x2048xf32>
    %sub3A = arith.subf %slice3A, %max3A_27 : vector<1x2048xf32>
    %exp3A = math.exp %sub3A : vector<1x2048xf32>
    %jit3A = arith.constant 0.000000e+00 : f32
    %broadcast_in_dim3A_41 = vector.broadcast %jit3A : f32 to vector<1x2048xf32>
    %select_n3A = arith.select %lt3A_40, %exp3A, %broadcast_in_dim3A_41 : vector<1x2048xi1>, vector<1x2048xf32>
    %broadcast_in_dim3A_42 = arith.constant 0.000000e+00 : f32
    %broadcast_in_dim3A_43 = vector.broadcast %broadcast_in_dim3A_42 : f32 to vector<1x2048xf32>
    %ge3A = arith.cmpf oge, %slice3A, %slice3A_23 : vector<1x2048xf32>
    %convert_element_type3A_44 = arith.extui %ge3A : vector<1x2048xi1> to vector<1x2048xi32>
    %convert_element_type3A_45 = arith.sitofp %convert_element_type3A_44 : vector<1x2048xi32> to vector<1x2048xf32>
    %add3A_46 = arith.addf %broadcast_in_dim3A_43, %convert_element_type3A_45 : vector<1x2048xf32>
    %gt3A_47 = arith.cmpf ogt, %slice3A_24, %slice3A_23 : vector<1x2048xf32>
    %convert_element_type3A_48 = arith.extui %gt3A_47 : vector<1x2048xi1> to vector<1x2048xi32>
    %convert_element_type3A_49 = arith.sitofp %convert_element_type3A_48 : vector<1x2048xi32> to vector<1x2048xf32>
    %add3A_50 = arith.addf %add3A_46, %convert_element_type3A_49 : vector<1x2048xf32>
    %gt3A_51 = arith.cmpf ogt, %slice3A_25, %slice3A_23 : vector<1x2048xf32>
    %convert_element_type3A_52 = arith.extui %gt3A_51 : vector<1x2048xi1> to vector<1x2048xi32>
    %convert_element_type3A_53 = arith.sitofp %convert_element_type3A_52 : vector<1x2048xi32> to vector<1x2048xf32>
    %add3A_54 = arith.addf %add3A_50, %convert_element_type3A_53 : vector<1x2048xf32>
    %lt3A_55 = arith.constant 2.000000e+00 : f32
    %lt3A_56 = vector.broadcast %lt3A_55 : f32 to vector<1x2048xf32>
    %lt3A_57 = arith.cmpf olt, %add3A_54, %lt3A_56 : vector<1x2048xf32>
    %sub3A_58 = arith.subf %slice3A_23, %max3A_27 : vector<1x2048xf32>
    %exp3A_59 = math.exp %sub3A_58 : vector<1x2048xf32>
    %jit3A_60 = arith.constant 0.000000e+00 : f32
    %broadcast_in_dim3A_61 = vector.broadcast %jit3A_60 : f32 to vector<1x2048xf32>
    %select_n3A_62 = arith.select %lt3A_57, %exp3A_59, %broadcast_in_dim3A_61 : vector<1x2048xi1>, vector<1x2048xf32>
    %broadcast_in_dim3A_63 = arith.constant 0.000000e+00 : f32
    %broadcast_in_dim3A_64 = vector.broadcast %broadcast_in_dim3A_63 : f32 to vector<1x2048xf32>
    %ge3A_65 = arith.cmpf oge, %slice3A, %slice3A_24 : vector<1x2048xf32>
    %convert_element_type3A_66 = arith.extui %ge3A_65 : vector<1x2048xi1> to vector<1x2048xi32>
    %convert_element_type3A_67 = arith.sitofp %convert_element_type3A_66 : vector<1x2048xi32> to vector<1x2048xf32>
    %add3A_68 = arith.addf %broadcast_in_dim3A_64, %convert_element_type3A_67 : vector<1x2048xf32>
    %ge3A_69 = arith.cmpf oge, %slice3A_23, %slice3A_24 : vector<1x2048xf32>
    %convert_element_type3A_70 = arith.extui %ge3A_69 : vector<1x2048xi1> to vector<1x2048xi32>
    %convert_element_type3A_71 = arith.sitofp %convert_element_type3A_70 : vector<1x2048xi32> to vector<1x2048xf32>
    %add3A_72 = arith.addf %add3A_68, %convert_element_type3A_71 : vector<1x2048xf32>
    %gt3A_73 = arith.cmpf ogt, %slice3A_25, %slice3A_24 : vector<1x2048xf32>
    %convert_element_type3A_74 = arith.extui %gt3A_73 : vector<1x2048xi1> to vector<1x2048xi32>
    %convert_element_type3A_75 = arith.sitofp %convert_element_type3A_74 : vector<1x2048xi32> to vector<1x2048xf32>
    %add3A_76 = arith.addf %add3A_72, %convert_element_type3A_75 : vector<1x2048xf32>
    %lt3A_77 = arith.constant 2.000000e+00 : f32
    %lt3A_78 = vector.broadcast %lt3A_77 : f32 to vector<1x2048xf32>
    %lt3A_79 = arith.cmpf olt, %add3A_76, %lt3A_78 : vector<1x2048xf32>
    %sub3A_80 = arith.subf %slice3A_24, %max3A_27 : vector<1x2048xf32>
    %exp3A_81 = math.exp %sub3A_80 : vector<1x2048xf32>
    %jit3A_82 = arith.constant 0.000000e+00 : f32
    %broadcast_in_dim3A_83 = vector.broadcast %jit3A_82 : f32 to vector<1x2048xf32>
    %select_n3A_84 = arith.select %lt3A_79, %exp3A_81, %broadcast_in_dim3A_83 : vector<1x2048xi1>, vector<1x2048xf32>
    %broadcast_in_dim3A_85 = arith.constant 0.000000e+00 : f32
    %broadcast_in_dim3A_86 = vector.broadcast %broadcast_in_dim3A_85 : f32 to vector<1x2048xf32>
    %ge3A_87 = arith.cmpf oge, %slice3A, %slice3A_25 : vector<1x2048xf32>
    %convert_element_type3A_88 = arith.extui %ge3A_87 : vector<1x2048xi1> to vector<1x2048xi32>
    %convert_element_type3A_89 = arith.sitofp %convert_element_type3A_88 : vector<1x2048xi32> to vector<1x2048xf32>
    %add3A_90 = arith.addf %broadcast_in_dim3A_86, %convert_element_type3A_89 : vector<1x2048xf32>
    %ge3A_91 = arith.cmpf oge, %slice3A_23, %slice3A_25 : vector<1x2048xf32>
    %convert_element_type3A_92 = arith.extui %ge3A_91 : vector<1x2048xi1> to vector<1x2048xi32>
    %convert_element_type3A_93 = arith.sitofp %convert_element_type3A_92 : vector<1x2048xi32> to vector<1x2048xf32>
    %add3A_94 = arith.addf %add3A_90, %convert_element_type3A_93 : vector<1x2048xf32>
    %ge3A_95 = arith.cmpf oge, %slice3A_24, %slice3A_25 : vector<1x2048xf32>
    %convert_element_type3A_96 = arith.extui %ge3A_95 : vector<1x2048xi1> to vector<1x2048xi32>
    %convert_element_type3A_97 = arith.sitofp %convert_element_type3A_96 : vector<1x2048xi32> to vector<1x2048xf32>
    %add3A_98 = arith.addf %add3A_94, %convert_element_type3A_97 : vector<1x2048xf32>
    %lt3A_99 = arith.constant 2.000000e+00 : f32
    %lt3A_100 = vector.broadcast %lt3A_99 : f32 to vector<1x2048xf32>
    %lt3A_101 = arith.cmpf olt, %add3A_98, %lt3A_100 : vector<1x2048xf32>
    %sub3A_102 = arith.subf %slice3A_25, %max3A_27 : vector<1x2048xf32>
    %exp3A_103 = math.exp %sub3A_102 : vector<1x2048xf32>
    %jit3A_104 = arith.constant 0.000000e+00 : f32
    %broadcast_in_dim3A_105 = vector.broadcast %jit3A_104 : f32 to vector<1x2048xf32>
    %select_n3A_106 = arith.select %lt3A_101, %exp3A_103, %broadcast_in_dim3A_105 : vector<1x2048xi1>, vector<1x2048xf32>
    %add3A_107 = arith.addf %select_n3A, %select_n3A_62 : vector<1x2048xf32>
    %add3A_108 = arith.addf %add3A_107, %select_n3A_84 : vector<1x2048xf32>
    %add3A_109 = arith.addf %add3A_108, %select_n3A_106 : vector<1x2048xf32>
    %div3A = arith.constant 1.000000e+00 : f32
    %div3A_110 = vector.broadcast %div3A : f32 to vector<1x2048xf32>
    %div3A_111 = arith.divf %div3A_110, %add3A_109 : vector<1x2048xf32>
    %get3A_112 = arith.constant 0 : index
    %get3A_113 = arith.constant 0 : index
    %get3A_114 = vector.load %arg7[%get3A_112, %get3A_113] : memref<256x64xf32, #tpu.memory_space<vmem>>, vector<256x64xf32>
    %dot_general3A_115 = arith.constant dense<0.000000e+00> : vector<256x2048xf32>
    %dot_general3A_116 = tpu.matmul %get3A_114, %add3A_12, %dot_general3A_115 {dimension_numbers = #tpu.dot_dimension_numbers<[1], [0], [0], [1], [0, 0, 1, 1], [], []>, transpose_lhs_hint = false} : vector<256x64xf32>, vector<64x2048xf32>, vector<256x2048xf32> -> vector<256x2048xf32>
    %get3A_117 = arith.constant 0 : index
    %get3A_118 = arith.constant 0 : index
    %get3A_119 = vector.load %arg8[%get3A_117, %get3A_118] : memref<256x1xf32, #tpu.memory_space<vmem>>, vector<256x1xf32>
    %add3A_120 = vector.broadcast %get3A_119 : vector<256x1xf32> to vector<256x2048xf32>
    %add3A_121 = arith.addf %dot_general3A_116, %add3A_120 : vector<256x2048xf32>
    %tanh3A_122 = math.tanh %add3A_121 : vector<256x2048xf32>
    %mul3A_123 = arith.mulf %add3A_121, %tanh3A_122 : vector<256x2048xf32>
    %add3A_124 = arith.addf %add3A_121, %mul3A_123 : vector<256x2048xf32>
    %mul3A_125 = arith.mulf %select_n3A, %div3A_111 : vector<1x2048xf32>
    %slice3A_126 = vector.extract_strided_slice %add3A_124 {offsets = [0, 0], sizes = [64, 2048], strides = [1, 1]} : vector<256x2048xf32> to vector<64x2048xf32>
    %mul3A_127 = vector.broadcast %mul3A_125 : vector<1x2048xf32> to vector<64x2048xf32>
    %mul3A_128 = arith.mulf %mul3A_127, %slice3A_126 : vector<64x2048xf32>
    %mul3A_129 = arith.mulf %select_n3A_62, %div3A_111 : vector<1x2048xf32>
    %slice3A_130 = vector.extract_strided_slice %add3A_124 {offsets = [64, 0], sizes = [64, 2048], strides = [1, 1]} : vector<256x2048xf32> to vector<64x2048xf32>
    %mul3A_131 = vector.broadcast %mul3A_129 : vector<1x2048xf32> to vector<64x2048xf32>
    %mul3A_132 = arith.mulf %mul3A_131, %slice3A_130 : vector<64x2048xf32>
    %add3A_133 = arith.addf %mul3A_128, %mul3A_132 : vector<64x2048xf32>
    %mul3A_134 = arith.mulf %select_n3A_84, %div3A_111 : vector<1x2048xf32>
    %slice3A_135 = vector.extract_strided_slice %add3A_124 {offsets = [128, 0], sizes = [64, 2048], strides = [1, 1]} : vector<256x2048xf32> to vector<64x2048xf32>
    %mul3A_136 = vector.broadcast %mul3A_134 : vector<1x2048xf32> to vector<64x2048xf32>
    %mul3A_137 = arith.mulf %mul3A_136, %slice3A_135 : vector<64x2048xf32>
    %add3A_138 = arith.addf %add3A_133, %mul3A_137 : vector<64x2048xf32>
    %mul3A_139 = arith.mulf %select_n3A_106, %div3A_111 : vector<1x2048xf32>
    %slice3A_140 = vector.extract_strided_slice %add3A_124 {offsets = [192, 0], sizes = [64, 2048], strides = [1, 1]} : vector<256x2048xf32> to vector<64x2048xf32>
    %mul3A_141 = vector.broadcast %mul3A_139 : vector<1x2048xf32> to vector<64x2048xf32>
    %mul3A_142 = arith.mulf %mul3A_141, %slice3A_140 : vector<64x2048xf32>
    %add3A_143 = arith.addf %add3A_138, %mul3A_142 : vector<64x2048xf32>
    %get3A_144 = arith.constant 0 : index
    %get3A_145 = arith.constant 0 : index
    %get3A_146 = vector.load %arg9[%get3A_144, %get3A_145] : memref<128x64xf32, #tpu.memory_space<vmem>>, vector<128x64xf32>
    %dot_general3A_147 = arith.constant dense<0.000000e+00> : vector<128x2048xf32>
    %dot_general3A_148 = tpu.matmul %get3A_146, %add3A_143, %dot_general3A_147 {dimension_numbers = #tpu.dot_dimension_numbers<[1], [0], [0], [1], [0, 0, 1, 1], [], []>, transpose_lhs_hint = false} : vector<128x64xf32>, vector<64x2048xf32>, vector<128x2048xf32> -> vector<128x2048xf32>
    %get3A_149 = arith.constant 0 : index
    %get3A_150 = arith.constant 0 : index
    %get3A_151 = vector.load %arg10[%get3A_149, %get3A_150] : memref<128x1xf32, #tpu.memory_space<vmem>>, vector<128x1xf32>
    %add3A_152 = vector.broadcast %get3A_151 : vector<128x1xf32> to vector<128x2048xf32>
    %add3A_153 = arith.addf %dot_general3A_148, %add3A_152 : vector<128x2048xf32>
    %tanh3A_154 = math.tanh %add3A_153 : vector<128x2048xf32>
    %mul3A_155 = arith.mulf %add3A_153, %tanh3A_154 : vector<128x2048xf32>
    %add3A_156 = arith.addf %add3A_153, %mul3A_155 : vector<128x2048xf32>
    %add3A_157 = arith.addf %add3A_156, %get3A_3 : vector<128x2048xf32>
    %swap3A = arith.constant 0 : index
    %swap3A_158 = arith.constant 0 : index
    %swap3A_159 = arith.constant 0 : index
    %swap3A_160 = vector.load %arg11[%swap3A, %swap3A_158, %swap3A_159] : memref<1x128x2048xf32, #tpu.memory_space<vmem>>, vector<1x128x2048xf32>
    %swap3A_161 = vector.shape_cast %swap3A_160 : vector<1x128x2048xf32> to vector<128x2048xf32>
    %swap3A_162 = vector.shape_cast %add3A_157 : vector<128x2048xf32> to vector<1x128x2048xf32>
    tpu.vector_store %arg11[%swap3A, %swap3A_158, %swap3A_159], %swap3A_162 {strides = array<i32>} : memref<1x128x2048xf32, #tpu.memory_space<vmem>>, vector<1x128x2048xf32>,
    return
  }
  func.func @transform_0(%arg0: i32, %arg1: i32) -> (i32, i32, i32) {
    %c0_i32 = arith.constant 0 : i32
    %c0_i32_0 = arith.constant 0 : i32
    return %arg0, %c0_i32, %arg1 : i32, i32, i32
  }
  func.func @transform_1(%arg0: i32, %arg1: i32) -> (i32, i32) {
    %c0_i32 = arith.constant 0 : i32
    %c0_i32_0 = arith.constant 0 : i32
    %c0_i32_1 = arith.constant 0 : i32
    return %c0_i32, %c0_i32_0 : i32, i32
  }
  func.func @transform_2(%arg0: i32, %arg1: i32) -> (i32, i32) {
    %c0_i32 = arith.constant 0 : i32
    %c0_i32_0 = arith.constant 0 : i32
    %c0_i32_1 = arith.constant 0 : i32
    return %c0_i32, %c0_i32_0 : i32, i32
  }
  func.func @transform_3(%arg0: i32, %arg1: i32) -> (i32, i32) {
    %c0_i32 = arith.constant 0 : i32
    %c0_i32_0 = arith.constant 0 : i32
    %c0_i32_1 = arith.constant 0 : i32
    return %c0_i32, %c0_i32_0 : i32, i32
  }
  func.func @transform_4(%arg0: i32, %arg1: i32) -> (i32, i32) {
    %c0_i32 = arith.constant 0 : i32
    %c0_i32_0 = arith.constant 0 : i32
    %c0_i32_1 = arith.constant 0 : i32
    return %c0_i32, %c0_i32_0 : i32, i32
  }
  func.func @transform_5(%arg0: i32, %arg1: i32) -> (i32, i32) {
    %c0_i32 = arith.constant 0 : i32
    %c0_i32_0 = arith.constant 0 : i32
    %c0_i32_1 = arith.constant 0 : i32
    return %c0_i32, %c0_i32_0 : i32, i32
  }
  func.func @transform_6(%arg0: i32, %arg1: i32) -> (i32, i32) {
    %c0_i32 = arith.constant 0 : i32
    %c0_i32_0 = arith.constant 0 : i32
    %c0_i32_1 = arith.constant 0 : i32
    return %c0_i32, %c0_i32_0 : i32, i32
  }
  func.func @transform_7(%arg0: i32, %arg1: i32) -> (i32, i32) {
    %c0_i32 = arith.constant 0 : i32
    %c0_i32_0 = arith.constant 0 : i32
    %c0_i32_1 = arith.constant 0 : i32
    return %c0_i32, %c0_i32_0 : i32, i32
  }
  func.func @transform_8(%arg0: i32, %arg1: i32) -> (i32, i32) {
    %c0_i32 = arith.constant 0 : i32
    %c0_i32_0 = arith.constant 0 : i32
    %c0_i32_1 = arith.constant 0 : i32
    return %c0_i32, %c0_i32_0 : i32, i32
  }
  func.func @transform_9(%arg0: i32, %arg1: i32) -> (i32, i32, i32) {
    %c0_i32 = arith.constant 0 : i32
    %c0_i32_0 = arith.constant 0 : i32
    return %arg0, %c0_i32, %arg1 : i32, i32, i32
  }
}

</mosaic_0001>

<sc_bundles>
// kernel: sparse-core-data-format-call.cloned.1.call-start
scs
called_computation_lowered:
.L_overlay_start_0:
0x0: {  	s2 =	sld [smem:$0x3FD9]  }
0x1: {  	s3 =	sld [smem:$0x3FFE];
	_ =	sdelay $0x1  }
0x2: {  	s1 =	srdreg.scid  }
0x3: {  	s0 =	sand.u32 $0x1, s1  }
0x4: {  	s18 =	sshll.u32 s0, $0xA;
	s2 =	sadd.s32 s3, s2  }
0x5: {  	s2 =	sadd.s32 s2, s18  }
0x6: {  	[smem:$0x3FB6] =	sst s2  }
0x7: {  	_ = 	snop  }
0x8: {  	s2 =	sld [smem:$0x3FD0];
	(tm) =	ssettm $0x1  }
0x9: {  	s19 =	sld [smem:$0x3FFB];
	_ =	sdelay $0x3  }
0xa: {  	_ =	strace s19  }
0xb: {  	s3 =	sld [smem:$0x3FFC];
	_ =	sdelay $0x3  }
0xc: {  	_ =	strace s3  }
0xd: {  	s3 =	sld [smem:$0x3FFD];
	_ =	sdelay $0x3  }
0xe: {  	_ =	strace s3  }
0xf: {  	_ =	strace $0x8FFFFFFF  }
0x10: {  	s20 =	sld [smem:$0x3FDB];
	_ =	sdelay $0x1  }
0x11: {  	s4 =	simm.s32 $_scs_section_size  }
0x12: {  	s5 =	simm.s32 $_size__tile_overlayer_lowered;
	s6 =	simm.s32 $_tile_overlayer_lowered  }
0x13: {  	s23 =	simm.s32 $0x1BFF;
	s22 =	sshll.u32 s6, $0x1;
	s3 =	sadd.s32 s4, s20  }
0x14: {  	s7 =	simm.s32 $0x0;
	s21 =	sshll.u32 s5, $0x1;
	s5 =	sadd.s32 s22, s3  }
0x15: {  	[timem:s7], [sflag:s23] =	dma.local [hbm:s5], s21  }
0x16: {  	_ =	swait.ge [sflag:s23], s21  }
0x17: {  	s4 =	ssub.s32 $0x0, s21;
	[sflag:s23] =	ssyncset.done $0x0  }
0x18: {  	[sflag:s23] =	ssyncadd.s32 s4;
	_ =	sdelay $0x1  }
0x19: {  	s24 =	simm.s32 $0x1B8B  }
0x1a: {  	_ =	swait.ge [sflag:s24], $0x1  }
0x1b: {  	[sflag:s24] =	ssyncset.done $0x0  }
0x1c: {  	s26 =	simm.s32 $0x1B8E;
	s25 =	sld [smem:$0x3FFE];
	[sflag:s24] =	ssyncadd.s32 $0xFFFFFFFF  }
0x1d: {  	s27 =	simm.s32 $execute0_lowered;
	[smem:$0x3FD2] =	sst s26  }
0x1e: {  	s5 =	sshll.u32 s27, $0x1;
	_ =	strace $0x80000046;
	[dreg:$0x1] =	wrdreg $0xFFFFFFFF  }
0x1f: {  	s28 =	simm.s32 $_size_execute0_lowered;
	s3 =	sadd.s32 s3, s5;
	[dreg:$0x0] =	wrdreg $0x0  }
0x20: {  	s5 =	sshll.u32 s28, $0x1;
	[dreg:$0x2] =	wrdreg s3  }
0x21: {  	[dreg:$0x3] =	wrdreg s5  }
0x22: {  	[dreg:$0x4] =	wrdreg $0xC0  }
0x23: {  	_ =	task [dreg:s7], $0x5FFFF  }
0x24: {  	[dreg:$0x1] =	wrdreg $0xFFFFFFFF  }
0x25: {  	[dreg:$0x0] =	wrdreg $0x60  }
0x26: {  	[dreg:$0x2] =	wrdreg s25  }
0x27: {  	[dreg:$0x3] =	wrdreg s2  }
0x28: {  	[dreg:$0x4] =	wrdreg $0x9  }
0x29: {  	_ =	task.clear_ibuf [dreg:s7], $0x5FFFF;
	_ =	strace $0x90000046  }
0x2a: {  	s29 =	simm.s32 $0x9;
	_ =	strace $0x80000048  }
0x2b: {  	_ =	swait.ge [sflag:s29], $0x1  }
0x2c: {  	[sflag:s29] =	ssyncadd.s32 $0xFFFFFFFF  }
0x2d: {  	_ =	strace $0x90000048  }
0x2e: {  	_ =	sfence  }
0x2f: {  	s30 =	sld [smem:$0x0];
	_ =	sdelay $0x2  }
0x30: {  	s31 =	sshll.u32 s1, $0xD;
	s1 =	sshrl.u32 s1, $0x2  }
0x31: {  	s3 =	sand.u32 $0x4000, s31;
	s1 =	sadd.s32 s1, s30  }
0x32: {  	s0 =	sor.u32 s3, s0;
	s1 =	sshll.u32 s1, $0x11  }
0x33: {  	s0 =	sor.u32 s1, s0  }
0x34: {  	s0 =	sadd.s32 $0x8F2B, s0  }
0x35: {  	[sflag:s0] =	ssyncadd.remote.s32 $0x1  }
0x36: {  	_ =	sfence.sel $0xFFFF  }
0x37: {  	[dreg:$0x0] =	wrdreg $0xFFFFFFFF;
	(pc) =	sbr.abs _section_cstart, $3  }
0x38: {  	[dreg:$0x1] =	wrdreg $0xFFFFFFFF  }
0x39: {  	_ =	task.clear_ibuf [dreg:s7], $0x2FFFF;
	_ =	strace $0x9FFFFFFF  }
0x3a: {  	(tm) =	ssettm $0x7FFFFFFF  }
0x3b: {  	_ =	shalt  }
tec
execute0_lowered:
.L_overlay_start_1:
0x0: {  	(tag) =	ssettag $0x1  }
0x1: {  	s1 =	rddreg [dreg:$0x0]  }
0x2: {  	s2 =	rddreg [dreg:$0x1]  }
0x3: {  	s0 =	rddreg [dreg:$0x2];
	_ =	strace $0x80000047;
	s4 =	srdreg.scid  }
0x4: {  	s6 =	simm.s32 $0x2;
	s11 =	simm.s32 $0x0;
	p0 =	por $0x0, $0x0  }
.Ltmp0:
0x5: {  	s7 =	simm.s32 $0x4000;
	s12 =	simm.s32 $0x0;
	(pc) =	sbr.rel .LBB1_1-.Ltmp0, $4  }
0x6: {  	s9 =	simm.s32 $0x0;
	s3 =	sadd.s32 $0xC00, s1;
	s5 =	sshll.u32 s4, $0x4  }
0x7: {  	s1 =	stileid.u32;
	s4 =	simm.s32 $0x1;
	s5 =	sand.u32 $0x10, s5  }
0x8: {  	s8 =	simm.s32 $0x0;
	[sflag:s4] =	ssyncpa.u1 $0x0;
	s5 =	sor.u32 s1, s5  }
0x9: {  	[sflag:s6] =	ssyncpa.u1 $0x0;
	s6 =	simm.s32 $0x800;
	s10 =	smov.u32 s5  }
.LBB1_7:
0xa: {  	s13 =	sadd.s32 $0x10, s9  }
0xb: {  	s11 =	sadd.s32 $0x20, s10;
	s15 =	smov.u32 s10;
	p2 =	sgt.s32 s13, $0x7F  }
0xc: {  	p1 =	slt.u32 s8, $0x2;
	s15 =	smov.u32 @p2 s11  }
0xd: {  	s8 =	sadd.s32 $0x1, s8;
	s13 =	simm.s32 @p2 $0x0;
	p2 =	sgt.s32 s15, $0x3F  }
0xe: {  	s15 =	smov.u32 @p2 s5;
	p2 =	sne.s32 s8, $0x12  }
.Ltmp1:
0xf: {  	_ = 	snop;
	(pc) =	sbr.rel @!p2 .LBB1_8-.Ltmp1, $4  }
0x10: {  	s14 =	simm.s32 @!p1 $0x2  }
0x11: {  	s12 =	smov.u32 s10;
	_ =	swait.ge @!p1 [sflag:s14], $0x4000  }
0x12: {  	p0 =	por !p0, !p0;
	s11 =	smov.u32 s9;
	[sflag:s14] =	ssyncset.done @!p1 $0x0  }
0x13: {  	s9 =	smov.u32 s13;
	[sflag:s14] =	ssyncadd.s32 @!p1 $0xFFFFC000;
	s10 =	smov.u32 s15  }
.LBB1_1:
0x14: {  	p1 =	sgt.u32 s8, $0xF  }
0x15: {  	s13 =	sxor.u32 @!p1 $0xFFFFFFFF, s8;
	s14 =	sshll.u32 @!p1 s10, $0xE  }
0x16: {  	s15 =	sshll.u32 @!p1 s9, $0x7;
	s13 =	sshll.u32 @!p1 s13, $0xE;
	s14 =	sadd.s32 @!p1 s3, s14  }
0x17: {  	s13 =	sand.u32 @!p1 $0x4000, s13;
	s14 =	sadd.s32 @!p1 s15, s14;
	s15 =	simm.s32 @!p1 $0x0  }
0x18: {  	[tilespmem:s13], [sflag:$0x1] =	stream.linear.gather @!p1 [hbm4b:s14+s15], $0x4000, $0x38;
	[tilespmem:$0x10000] =	vst v63  }
0x19: {  	p1 =	seq.s32 s8, $0x0  }
0x1a: {  	p2 =	seq.s32 @!p1 s8, $0x11  }
0x1b: {  	p1 =	por p1, p2  }
.Ltmp2:
0x1c: {  	_ = 	snop;
	(pc) =	sbr.rel @p1 .LBB1_7-.Ltmp2, $1  }
0x1d: {  	_ =	sdelay $0x3  }
0x1e: {  	s13 =	simm.s32 $0x1;
	_ =	swait.ge [sflag:s4], $0x4000;
	s16 =	sshll.u32 s8, $0xE  }
0x1f: {  	s13 =	simm.s32 @!p0 $0x0;
	[sflag:s4] =	ssyncset.done $0x0;
	s31 =	sand.u32 $0x4000, s16  }
0x20: {  	s16 =	simm.s32 $0x0;
	s14 =	sshll.u32 s13, $0xE;
	[sflag:s4] =	ssyncadd.s32 $0xFFFFC000  }
0x21: {  	s13 =	sor.u32 $0x8040, s14;
	s15 =	sor.u32 $0x40, s14;
	s14 =	sor.u32 $0x8000, s31  }
.LBB1_3:
0x22: {  	v0 =	vmov s15;
	_ =	sdelay $0x3  }
0x23: {  	s18 =	simm.s32 $0x0  }
0x24: {  	v6 =	vld.idx.msk [tilespmem:v0+s18+$0x30 ss:$0x1], $0xffff  }
0x25: {  	v7 =	vld.idx.msk [tilespmem:v0+s18+$0xFFFFFFC0 ss:$0x1], $0xffff  }
0x26: {  	v5 =	vld.idx.msk [tilespmem:v0+s18+$0xFFFFFFD0 ss:$0x1], $0xffff  }
0x27: {  	v4 =	vld.idx.msk [tilespmem:v0+s18+$0xFFFFFFE0 ss:$0x1], $0xffff  }
0x28: {  	v3 =	vld.idx.msk [tilespmem:v0+s18+$0xFFFFFFF0 ss:$0x1], $0xffff  }
0x29: {  	v1 =	vld.idx.msk [tilespmem:v0+s18+$0x0 ss:$0x1], $0xffff  }
0x2a: {  	v2 =	vld.idx.msk [tilespmem:v0+s18+$0x10 ss:$0x1], $0xffff;
	[tilespmem:s13+$0x30] =	vst v6  }
0x2b: {  	s17 =	simm.s32 $0x80;
	s19 =	simm.s32 $0x400;
	[tilespmem:s13+$0xFFFFFFC0] =	vst v7;
	v6 =	vld.idx.msk [tilespmem:v0+s18+$0x20 ss:$0x1], $0xffff;
	s18 =	smov.u32 s13  }
.LBB1_4:
0x2c: {  	p1 =	sne.s32 s19, $0xE00;
	v7 =	vld.idx.msk [tilespmem:v0+s17+$0x30 ss:$0x1], $0xffff;
	[tilespmem:s18+$0xFFFFFFD0] =	vst v5  }
0x2d: {  	v8 =	vld.idx.msk [tilespmem:v0+s17+$0xFFFFFFC0 ss:$0x1], $0xffff;
	[tilespmem:s18+$0xFFFFFFE0] =	vst v4  }
0x2e: {  	v5 =	vld.idx.msk [tilespmem:v0+s17+$0xFFFFFFD0 ss:$0x1], $0xffff;
	[tilespmem:s18+$0xFFFFFFF0] =	vst v3  }
.Ltmp3:
0x2f: {  	v4 =	vld.idx.msk [tilespmem:v0+s17+$0xFFFFFFE0 ss:$0x1], $0xffff;
	[tilespmem:s18+$0x0] =	vst v1;
	(pc) =	sbr.rel @p1 .LBB1_4-.Ltmp3, $4  }
0x30: {  	v3 =	vld.idx.msk [tilespmem:v0+s17+$0xFFFFFFF0 ss:$0x1], $0xffff;
	[tilespmem:s18+$0x10] =	vst v2  }
0x31: {  	v1 =	vld.idx.msk [tilespmem:v0+s17+$0x0 ss:$0x1], $0xffff;
	[tilespmem:s18+$0x20] =	vst v6;
	s18 =	sadd.s32 $0x800, s18  }
0x32: {  	v2 =	vld.idx.msk [tilespmem:v0+s17+$0x10 ss:$0x1], $0xffff;
	[tilespmem:s18+$0x30] =	vst v7  }
0x33: {  	[tilespmem:s18+$0xFFFFFFC0] =	vst v8;
	v6 =	vld.idx.msk [tilespmem:v0+s17+$0x20 ss:$0x1], $0xffff;
	s17 =	sshra.s32 s19, $0x2;
	s19 =	sadd.s32 $0x200, s19  }
0x34: {  	_ =	sdelay $0x2  }
0x35: {  	[tilespmem:s18+$0xFFFFFFD0] =	vst v5  }
0x36: {  	v56 =	vld.idx.msk [tilespmem:v0+s17+$0x30 ss:$0x1], $0xffff;
	[tilespmem:s18+$0xFFFFFFE0] =	vst v4  }
0x37: {  	v57 =	vld.idx.msk [tilespmem:v0+s17+$0xFFFFFFC0 ss:$0x1], $0xffff;
	[tilespmem:s18+$0xFFFFFFF0] =	vst v3  }
0x38: {  	v58 =	vld.idx.msk [tilespmem:v0+s17+$0xFFFFFFD0 ss:$0x1], $0xffff;
	[tilespmem:s18+$0x0] =	vst v1  }
0x39: {  	v59 =	vld.idx.msk [tilespmem:v0+s17+$0xFFFFFFE0 ss:$0x1], $0xffff;
	[tilespmem:s18+$0x10] =	vst v2  }
0x3a: {  	v60 =	vld.idx.msk [tilespmem:v0+s17+$0xFFFFFFF0 ss:$0x1], $0xffff;
	s31 =	sadd.s32 $0x800, s18;
	[tilespmem:s18+$0x20] =	vst v6  }
0x3b: {  	v61 =	vld.idx.msk [tilespmem:v0+s17+$0x0 ss:$0x1], $0xffff;
	[tilespmem:s31+$0x30] =	vst v56  }
0x3c: {  	v62 =	vld.idx.msk [tilespmem:v0+s17+$0x10 ss:$0x1], $0xffff;
	s16 =	sadd.s32 $0x1, s16;
	[tilespmem:s31+$0xFFFFFFC0] =	vst v57  }
0x3d: {  	v63 =	vld.idx.msk [tilespmem:v0+s17+$0x20 ss:$0x1], $0xffff;
	p1 =	sne.s32 s16, $0x10;
	[tilespmem:s31+$0xFFFFFFD0] =	vst v58  }
.Ltmp4:
0x3e: {  	[tilespmem:s31+$0xFFFFFFE0] =	vst v59;
	(pc) =	sbr.rel @p1 .LBB1_3-.Ltmp4, $4  }
0x3f: {  	[tilespmem:s31+$0xFFFFFFF0] =	vst v60  }
0x40: {  	[tilespmem:s31+$0x0] =	vst v61  }
0x41: {  	[tilespmem:s31+$0x10] =	vst v62  }
0x42: {  	s13 =	sadd.s32 $0x80, s13;
	s15 =	sadd.s32 $0x400, s15;
	[tilespmem:s31+$0x20] =	vst v63  }
.Ltmp5:
0x43: {  	(pc) =	sbr.rel .LBB1_7-.Ltmp5, $4  }
0x44: {  	s12 =	sshll.u32 s12, $0xE;
	s11 =	sshll.u32 s11, $0x4  }
0x45: {  	s11 =	sand.u32 $0x7F0, s11;
	s12 =	sadd.s32 s2, s12  }
0x46: {  	s11 =	sadd.s32 s11, s12  }
0x47: {  	[hbm4b:s11+s6] =	stream.strided.scatter [tilespmem:s14], [sflag:$0x2], $0x4000, s7, s6, $0x38;
	[tilespmem:$0x10000] =	vst v63  }
.LBB1_8:
0x48: {  	_ =	sfence.sel $0x180000  }
0x49: {  	s2 =	simm.s32 $0x1;
	[bflag:$0x0] =	sbarrier.arrive $0xFFFF  }
0x4a: {  	s31 =	simm.s32 $0x2;
	[sflag:s2] =	ssyncpa.u1 $0x1  }
0x4b: {  	[sflag:s31] =	ssyncpa.u1 $0x1  }
0x4c: {  	p0 =	sne.s32 s1, $0x0;
	_ =	strace $0x90000047  }
0x4d: {  	s0 =	sadd.s32 @!p0 $0x100000, s0;
	[bflag:$0x2] =	sbarrier.arrive $0xFFFF  }
0x4e: {  	[sflag:s0] =	ssyncadd.tile.s32 @!p0 $0x1;
	_ =	shalt  }
.Lfunc_end1:
_tile_overlayer_lowered:
.L_overlay_start_2:
0x4f: {  	(tag) =	ssettag $0x2  }
0x50: {  	s0 =	rddreg [dreg:$0x0];
	s2 =	stileid.u32  }
0x51: {  	s1 =	rddreg [dreg:$0x1];
	p0 =	sne.s32 s2, $0x0  }
0x52: {  	s3 =	rddreg [dreg:$0x2];
	[bflag:$0x3] =	sbarrier.arrive $0xFFFF;
	s2 =	simm.s32 @!p0 $0x1C01  }
0x53: {  	[timem:s3], [sflag:s2] =	dma.local @!p0 [hbm:s0], s1  }
0x54: {  	s0 =	simm.s32 @!p0 $0x1  }
0x55: {  	_ =	swait.ge @!p0 [sflag:s0], s1  }
0x56: {  	s1 =	ssub.s32 @!p0 $0x0, s1;
	[sflag:s0] =	ssyncset.done @!p0 $0x0  }
0x57: {  	[sflag:s0] =	ssyncadd.s32 @!p0 s1  }
0x58: {  	[bflag:$0x3] =	sbarrier.arrive $0xFFFF  }
0x59: {  	_ =	shalt  }

</sc_bundles>
